<compile_context>
chip_gen: v7x
topology: tpu7x:2x2x1
jax: 0.10.2.dev20260603
libtpu: 0.0.44.dev20260713+nightly
codegen_flags: <defaults>
</compile_context>

<pallas_src>
import functools

import jax
import jax.numpy as jnp
from jax import lax
from jax.experimental import pallas as pl
from jax.experimental.pallas import tpu as pltpu
from jax.experimental.pallas import tpu_sc as plsc

_B = 16384
_D = 32
_NU = 26
_NW = 26
_BLK = 2048


def _sc_gather3(idx_pat, idx_meas, idx_t, pat_lat, meas_lat, time_lat):
    info = plsc.get_sparse_core_info()
    nc, ns = info.num_cores, info.num_subcores
    nw = nc * ns
    bpw = _B // nw

    mesh = plsc.VectorSubcoreMesh(core_axis_name="c", subcore_axis_name="s")

    @functools.partial(
        pl.kernel,
        mesh=mesh,
        compiler_params=pltpu.CompilerParams(use_tc_tiling_on_sc=False),
        out_type=(
            jax.ShapeDtypeStruct((_B, _D), jnp.float32),
            jax.ShapeDtypeStruct((_B, _D), jnp.float32),
            jax.ShapeDtypeStruct((_B, _D), jnp.float32),
        ),
        scratch_types=[
            pltpu.VMEM((bpw,), jnp.int32),
            pltpu.VMEM((bpw,), jnp.int32),
            pltpu.VMEM((bpw,), jnp.int32),
            pltpu.VMEM((bpw, _D), jnp.float32),
            pltpu.VMEM((bpw, _D), jnp.float32),
            pltpu.VMEM((bpw, _D), jnp.float32),
            pltpu.SemaphoreType.DMA,
            pltpu.SemaphoreType.DMA,
            pltpu.SemaphoreType.DMA,
        ],
    )
    def gather_kernel(ip_hbm, im_hbm, it_hbm, pt_hbm, mt_hbm, tt_hbm,
                      op_hbm, om_hbm, ot_hbm,
                      ip_v, im_v, it_v, p_v, m_v, t_v, sp, sm, st):
        wid = lax.axis_index("s") * nc + lax.axis_index("c")
        base = wid * bpw
        pltpu.sync_copy(ip_hbm.at[pl.ds(base, bpw)], ip_v)
        pltpu.sync_copy(im_hbm.at[pl.ds(base, bpw)], im_v)
        pltpu.sync_copy(it_hbm.at[pl.ds(base, bpw)], it_v)
        cp = pltpu.async_copy(pt_hbm.at[ip_v], p_v, sp)
        cm = pltpu.async_copy(mt_hbm.at[im_v], m_v, sm)
        ct = pltpu.async_copy(tt_hbm.at[it_v], t_v, st)
        cp.wait()
        cm.wait()
        ct.wait()
        pltpu.sync_copy(p_v, op_hbm.at[pl.ds(base, bpw)])
        pltpu.sync_copy(m_v, om_hbm.at[pl.ds(base, bpw)])
        pltpu.sync_copy(t_v, ot_hbm.at[pl.ds(base, bpw)])

    return gather_kernel(idx_pat, idx_meas, idx_t, pat_lat, meas_lat, time_lat)


def _tc_combine(pat, meas, tim, cov_u, cov_w, beta_u, beta_w):
    nblk = _B // _BLK

    def body(pat_ref, meas_ref, tim_ref, cu_ref, cw_ref, bu_ref, bw_ref, out_ref):
        u = jnp.dot(cu_ref[...], bu_ref[...], preferred_element_type=jnp.float32)
        w = jnp.dot(cw_ref[...], bw_ref[...], preferred_element_type=jnp.float32)
        prod = (pat_ref[...] + u) * meas_ref[...] * (tim_ref[...] + w)
        out_ref[...] = jnp.sum(prod, axis=1).reshape(1, 1, _BLK)

    out = pl.pallas_call(
        body,
        grid=(nblk,),
        in_specs=[
            pl.BlockSpec((_BLK, _D), lambda i: (i, 0)),
            pl.BlockSpec((_BLK, _D), lambda i: (i, 0)),
            pl.BlockSpec((_BLK, _D), lambda i: (i, 0)),
            pl.BlockSpec((_BLK, _NU), lambda i: (i, 0)),
            pl.BlockSpec((_BLK, _NW), lambda i: (i, 0)),
            pl.BlockSpec((_NU, _D), lambda i: (0, 0)),
            pl.BlockSpec((_NW, _D), lambda i: (0, 0)),
        ],
        out_specs=pl.BlockSpec((1, 1, _BLK), lambda i: (i, 0, 0)),
        out_shape=jax.ShapeDtypeStruct((nblk, 1, _BLK), jnp.float32),
    )(pat, meas, tim, cov_u, cov_w, beta_u, beta_w)
    return out.reshape(_B)


def kernel(idx_pat, idx_meas, idx_t, cov_u, cov_w, pat_lat, meas_lat, time_lat,
           beta_u, beta_w):
    ip = idx_pat.astype(jnp.int32)
    im = idx_meas.astype(jnp.int32)
    it = idx_t.astype(jnp.int32)
    pat, meas, tim = _sc_gather3(ip, im, it, pat_lat, meas_lat, time_lat)
    return _tc_combine(pat, meas, tim, cov_u, cov_w, beta_u, beta_w)

# --- scband reference (transcript-rebuilt; emitter-appended) ---
"""Pipeline reference for scband-tensor-fact-12257836663394 (READ-ONLY COPY).

The authoritative reference and input builder live on the scoring server;
editing this copy changes nothing except your own understanding.
"""

import jax, jax.numpy as jnp
import numpy as np

B = 16384
N_PAT = 1000000
N_MEAS = 1000
N_T = 200
L_DIM = 32
N_U = 26
N_W = 26

def setup_inputs(seed: int = 0) -> dict:
    key = jax.random.key(seed)
    ks = jax.random.split(key, 10)
    return {
        "idx_pat": jax.random.randint(ks[0], (B,), 0, N_PAT, dtype=jnp.int64) if jax.config.jax_enable_x64 else jax.random.randint(ks[0], (B,), 0, N_PAT),
        "idx_meas": jax.random.randint(ks[1], (B,), 0, N_MEAS),
        "idx_t": jax.random.randint(ks[2], (B,), 0, N_T),
        "cov_u": jax.random.normal(ks[3], (B, N_U), dtype=jnp.float32),
        "cov_w": jax.random.normal(ks[4], (B, N_W), dtype=jnp.float32),
        "pat_lat": 0.25 * jax.random.normal(ks[5], (N_PAT, L_DIM), dtype=jnp.float32),
        "meas_lat": 0.25 * jax.random.normal(ks[6], (N_MEAS, L_DIM), dtype=jnp.float32),
        "time_lat": 0.005 * jax.random.normal(ks[7], (N_T, L_DIM), dtype=jnp.float32),
        "beta_u": jax.random.normal(ks[8], (N_U, L_DIM), dtype=jnp.float32),
        "beta_w": jax.random.normal(ks[9], (N_W, L_DIM), dtype=jnp.float32),
    }

def reference(idx_pat, idx_meas, idx_t, cov_u, cov_w, pat_lat, meas_lat, time_lat, beta_u, beta_w):
    pat = jnp.take(pat_lat, idx_pat, axis=0)
    meas = jnp.take(meas_lat, idx_meas, axis=0)
    tim = jnp.take(time_lat, idx_t, axis=0)
    pred = ((pat + cov_u @ beta_u) * meas * (tim + cov_w @ beta_w)).sum(1)
    return pred

if __name__ == "__main__":
    import jax
    _d = setup_inputs()
    print(jax.jit(kernel)(*tuple(_d.values())))

</pallas_src>

<mosaic_0001>
#map = affine_map<(d0, d1) -> (0)>
#map1 = affine_map<(d0, d1) -> (0, 0)>
module attributes {stable_mosaic.version = 14 : i64} {
  func.func @gather_kernel(%arg0: i32, %arg1: i32, %arg2: memref<16384xi32, #tpu.memory_space<hbm>>, %arg3: memref<16384xi32, #tpu.memory_space<hbm>>, %arg4: memref<16384xi32, #tpu.memory_space<hbm>>, %arg5: memref<1000000x32xf32, #tpu.memory_space<hbm>>, %arg6: memref<1000x32xf32, #tpu.memory_space<hbm>>, %arg7: memref<200x32xf32, #tpu.memory_space<hbm>>, %arg8: memref<16384x32xf32, #tpu.memory_space<hbm>>, %arg9: memref<16384x32xf32, #tpu.memory_space<hbm>>, %arg10: memref<16384x32xf32, #tpu.memory_space<hbm>>, %arg11: memref<512xi32, #tpu.memory_space<vmem>>, %arg12: memref<512xi32, #tpu.memory_space<vmem>>, %arg13: memref<512xi32, #tpu.memory_space<vmem>>, %arg14: memref<512x32xf32, #tpu.memory_space<vmem>>, %arg15: memref<512x32xf32, #tpu.memory_space<vmem>>, %arg16: memref<512x32xf32, #tpu.memory_space<vmem>>, %arg17: memref<!tpu.dma_semaphore, #tpu.memory_space<semaphore_mem>>, %arg18: memref<!tpu.dma_semaphore, #tpu.memory_space<semaphore_mem>>, %arg19: memref<!tpu.dma_semaphore, #tpu.memory_space<semaphore_mem>>) attributes {dimension_semantics = [#tpu.dimension_semantics<core_parallel>, #tpu.dimension_semantics<subcore_parallel>], iteration_bounds = array<i64: 2, 16>, scalar_prefetch = 0 : i64, scratch_operands = 9 : i64, tpu.core_type = #tpu.core_type<sc_vector_subcore>, window_params = [{transform_indices = #map}, {transform_indices = #map}, {transform_indices = #map}, {transform_indices = #map1}, {transform_indices = #map1}, {transform_indices = #map1}, {transform_indices = #map1}, {transform_indices = #map1}, {transform_indices = #map1}]} {
    %mul3A = arith.constant 2 : i32
    %mul3A_0 = arith.muli %arg1, %mul3A : i32
    %add3A = arith.addi %mul3A_0, %arg0 : i32
    %mul3A_1 = arith.constant 512 : i32
    %mul3A_2 = arith.muli %add3A, %mul3A_1 : i32
    "tpu.region"() ({
      %run_scoped3A = tpu.sem_alloc : memref<!tpu.dma_semaphore, #tpu.memory_space<semaphore_mem>>
      %dma_start3A_19 = tpu.memref_slice %arg2[%mul3A_2] : memref<16384xi32, #tpu.memory_space<hbm>> -> memref<512xi32, #tpu.memory_space<hbm>>
      %dma_start3A_20 = tpu.memref_slice %arg2[%mul3A_2] : memref<16384xi32, #tpu.memory_space<hbm>> -> memref<512xi32, #tpu.memory_space<hbm>>
      tpu.enqueue_dma source(%dma_start3A_20 : memref<512xi32, #tpu.memory_space<hbm>>) target(%arg11 : memref<512xi32, #tpu.memory_space<vmem>>) target_semaphore(%run_scoped3A : memref<!tpu.dma_semaphore, #tpu.memory_space<semaphore_mem>>)
      %dma_wait3A_21 = tpu.memref_slice %arg2[%mul3A_2] : memref<16384xi32, #tpu.memory_space<hbm>> -> memref<512xi32, #tpu.memory_space<hbm>>
      %dma_wait3A_22 = tpu.memref_slice %arg2[%mul3A_2] : memref<16384xi32, #tpu.memory_space<hbm>> -> memref<512xi32, #tpu.memory_space<hbm>>
      tpu.wait_dma2 semaphore(%run_scoped3A : memref<!tpu.dma_semaphore, #tpu.memory_space<semaphore_mem>>) src(%dma_wait3A_22 : memref<512xi32, #tpu.memory_space<hbm>>) dst(%arg11 : memref<512xi32, #tpu.memory_space<vmem>>)
      tpu.yield
    }) : () -> ()
    "tpu.region"() ({
      %run_scoped3A = tpu.sem_alloc : memref<!tpu.dma_semaphore, #tpu.memory_space<semaphore_mem>>
      %dma_start3A_19 = tpu.memref_slice %arg3[%mul3A_2] : memref<16384xi32, #tpu.memory_space<hbm>> -> memref<512xi32, #tpu.memory_space<hbm>>
      %dma_start3A_20 = tpu.memref_slice %arg3[%mul3A_2] : memref<16384xi32, #tpu.memory_space<hbm>> -> memref<512xi32, #tpu.memory_space<hbm>>
      tpu.enqueue_dma source(%dma_start3A_20 : memref<512xi32, #tpu.memory_space<hbm>>) target(%arg12 : memref<512xi32, #tpu.memory_space<vmem>>) target_semaphore(%run_scoped3A : memref<!tpu.dma_semaphore, #tpu.memory_space<semaphore_mem>>)
      %dma_wait3A_21 = tpu.memref_slice %arg3[%mul3A_2] : memref<16384xi32, #tpu.memory_space<hbm>> -> memref<512xi32, #tpu.memory_space<hbm>>
      %dma_wait3A_22 = tpu.memref_slice %arg3[%mul3A_2] : memref<16384xi32, #tpu.memory_space<hbm>> -> memref<512xi32, #tpu.memory_space<hbm>>
      tpu.wait_dma2 semaphore(%run_scoped3A : memref<!tpu.dma_semaphore, #tpu.memory_space<semaphore_mem>>) src(%dma_wait3A_22 : memref<512xi32, #tpu.memory_space<hbm>>) dst(%arg12 : memref<512xi32, #tpu.memory_space<vmem>>)
      tpu.yield
    }) : () -> ()
    "tpu.region"() ({
      %run_scoped3A = tpu.sem_alloc : memref<!tpu.dma_semaphore, #tpu.memory_space<semaphore_mem>>
      %dma_start3A_19 = tpu.memref_slice %arg4[%mul3A_2] : memref<16384xi32, #tpu.memory_space<hbm>> -> memref<512xi32, #tpu.memory_space<hbm>>
      %dma_start3A_20 = tpu.memref_slice %arg4[%mul3A_2] : memref<16384xi32, #tpu.memory_space<hbm>> -> memref<512xi32, #tpu.memory_space<hbm>>
      tpu.enqueue_dma source(%dma_start3A_20 : memref<512xi32, #tpu.memory_space<hbm>>) target(%arg13 : memref<512xi32, #tpu.memory_space<vmem>>) target_semaphore(%run_scoped3A : memref<!tpu.dma_semaphore, #tpu.memory_space<semaphore_mem>>)
      %dma_wait3A_21 = tpu.memref_slice %arg4[%mul3A_2] : memref<16384xi32, #tpu.memory_space<hbm>> -> memref<512xi32, #tpu.memory_space<hbm>>
      %dma_wait3A_22 = tpu.memref_slice %arg4[%mul3A_2] : memref<16384xi32, #tpu.memory_space<hbm>> -> memref<512xi32, #tpu.memory_space<hbm>>
      tpu.wait_dma2 semaphore(%run_scoped3A : memref<!tpu.dma_semaphore, #tpu.memory_space<semaphore_mem>>) src(%dma_wait3A_22 : memref<512xi32, #tpu.memory_space<hbm>>) dst(%arg13 : memref<512xi32, #tpu.memory_space<vmem>>)
      tpu.yield
    }) : () -> ()
    %dma_start3A = arith.constant 0 : i32
    %dma_start3A_3 = arith.constant 0 : i32
    %dma_start3A_4 = tpu.memref_slice %arg5[%dma_start3A, %dma_start3A_3] : memref<1000000x32xf32, #tpu.memory_space<hbm>> -> memref<1000000x32xf32, #tpu.memory_space<hbm>>
    tpu.enqueue_indirect_dma source(%dma_start3A_4 : memref<1000000x32xf32, #tpu.memory_space<hbm>>) target(%arg14 : memref<512x32xf32, #tpu.memory_space<vmem>>) offsets(%arg11 : memref<512xi32, #tpu.memory_space<vmem>>) semaphore(%arg17 : memref<!tpu.dma_semaphore, #tpu.memory_space<semaphore_mem>>)
    %dma_start3A_5 = arith.constant 0 : i32
    %dma_start3A_6 = arith.constant 0 : i32
    %dma_start3A_7 = tpu.memref_slice %arg6[%dma_start3A_5, %dma_start3A_6] : memref<1000x32xf32, #tpu.memory_space<hbm>> -> memref<1000x32xf32, #tpu.memory_space<hbm>>
    tpu.enqueue_indirect_dma source(%dma_start3A_7 : memref<1000x32xf32, #tpu.memory_space<hbm>>) target(%arg15 : memref<512x32xf32, #tpu.memory_space<vmem>>) offsets(%arg12 : memref<512xi32, #tpu.memory_space<vmem>>) semaphore(%arg18 : memref<!tpu.dma_semaphore, #tpu.memory_space<semaphore_mem>>)
    %dma_start3A_8 = arith.constant 0 : i32
    %dma_start3A_9 = arith.constant 0 : i32
    %dma_start3A_10 = tpu.memref_slice %arg7[%dma_start3A_8, %dma_start3A_9] : memref<200x32xf32, #tpu.memory_space<hbm>> -> memref<200x32xf32, #tpu.memory_space<hbm>>
    tpu.enqueue_indirect_dma source(%dma_start3A_10 : memref<200x32xf32, #tpu.memory_space<hbm>>) target(%arg16 : memref<512x32xf32, #tpu.memory_space<vmem>>) offsets(%arg13 : memref<512xi32, #tpu.memory_space<vmem>>) semaphore(%arg19 : memref<!tpu.dma_semaphore, #tpu.memory_space<semaphore_mem>>)
    %dma_wait3A = arith.constant 0 : i32
    %dma_wait3A_11 = arith.constant 0 : i32
    %dma_wait3A_12 = tpu.memref_slice %arg5[%dma_wait3A, %dma_wait3A_11] : memref<1000000x32xf32, #tpu.memory_space<hbm>> -> memref<1000000x32xf32, #tpu.memory_space<hbm>>
    tpu.wait_indirect_dma semaphore(%arg17 : memref<!tpu.dma_semaphore, #tpu.memory_space<semaphore_mem>>) src(%dma_wait3A_12 : memref<1000000x32xf32, #tpu.memory_space<hbm>>) dst(%arg14 : memref<512x32xf32, #tpu.memory_space<vmem>>)
    %dma_wait3A_13 = arith.constant 0 : i32
    %dma_wait3A_14 = arith.constant 0 : i32
    %dma_wait3A_15 = tpu.memref_slice %arg6[%dma_wait3A_13, %dma_wait3A_14] : memref<1000x32xf32, #tpu.memory_space<hbm>> -> memref<1000x32xf32, #tpu.memory_space<hbm>>
    tpu.wait_indirect_dma semaphore(%arg18 : memref<!tpu.dma_semaphore, #tpu.memory_space<semaphore_mem>>) src(%dma_wait3A_15 : memref<1000x32xf32, #tpu.memory_space<hbm>>) dst(%arg15 : memref<512x32xf32, #tpu.memory_space<vmem>>)
    %dma_wait3A_16 = arith.constant 0 : i32
    %dma_wait3A_17 = arith.constant 0 : i32
    %dma_wait3A_18 = tpu.memref_slice %arg7[%dma_wait3A_16, %dma_wait3A_17] : memref<200x32xf32, #tpu.memory_space<hbm>> -> memref<200x32xf32, #tpu.memory_space<hbm>>
    tpu.wait_indirect_dma semaphore(%arg19 : memref<!tpu.dma_semaphore, #tpu.memory_space<semaphore_mem>>) src(%dma_wait3A_18 : memref<200x32xf32, #tpu.memory_space<hbm>>) dst(%arg16 : memref<512x32xf32, #tpu.memory_space<vmem>>)
    "tpu.region"() ({
      %run_scoped3A = tpu.sem_alloc : memref<!tpu.dma_semaphore, #tpu.memory_space<semaphore_mem>>
      %dma_start3A_19 = arith.constant 0 : i32
      %dma_start3A_20 = tpu.memref_slice %arg8[%mul3A_2, %dma_start3A_19] : memref<16384x32xf32, #tpu.memory_space<hbm>> -> memref<512x32xf32, #tpu.memory_space<hbm>>
      %dma_start3A_21 = arith.constant 0 : i32
      %dma_start3A_22 = tpu.memref_slice %arg8[%mul3A_2, %dma_start3A_21] : memref<16384x32xf32, #tpu.memory_space<hbm>> -> memref<512x32xf32, #tpu.memory_space<hbm>>
      tpu.enqueue_dma source(%arg14 : memref<512x32xf32, #tpu.memory_space<vmem>>) target(%dma_start3A_22 : memref<512x32xf32, #tpu.memory_space<hbm>>) target_semaphore(%run_scoped3A : memref<!tpu.dma_semaphore, #tpu.memory_space<semaphore_mem>>)
      %dma_wait3A_23 = arith.constant 0 : i32
      %dma_wait3A_24 = tpu.memref_slice %arg8[%mul3A_2, %dma_wait3A_23] : memref<16384x32xf32, #tpu.memory_space<hbm>> -> memref<512x32xf32, #tpu.memory_space<hbm>>
      %dma_wait3A_25 = arith.constant 0 : i32
      %dma_wait3A_26 = tpu.memref_slice %arg8[%mul3A_2, %dma_wait3A_25] : memref<16384x32xf32, #tpu.memory_space<hbm>> -> memref<512x32xf32, #tpu.memory_space<hbm>>
      tpu.wait_dma2 semaphore(%run_scoped3A : memref<!tpu.dma_semaphore, #tpu.memory_space<semaphore_mem>>) src(%arg14 : memref<512x32xf32, #tpu.memory_space<vmem>>) dst(%dma_wait3A_26 : memref<512x32xf32, #tpu.memory_space<hbm>>)
      tpu.yield
    }) : () -> ()
    "tpu.region"() ({
      %run_scoped3A = tpu.sem_alloc : memref<!tpu.dma_semaphore, #tpu.memory_space<semaphore_mem>>
      %dma_start3A_19 = arith.constant 0 : i32
      %dma_start3A_20 = tpu.memref_slice %arg9[%mul3A_2, %dma_start3A_19] : memref<16384x32xf32, #tpu.memory_space<hbm>> -> memref<512x32xf32, #tpu.memory_space<hbm>>
      %dma_start3A_21 = arith.constant 0 : i32
      %dma_start3A_22 = tpu.memref_slice %arg9[%mul3A_2, %dma_start3A_21] : memref<16384x32xf32, #tpu.memory_space<hbm>> -> memref<512x32xf32, #tpu.memory_space<hbm>>
      tpu.enqueue_dma source(%arg15 : memref<512x32xf32, #tpu.memory_space<vmem>>) target(%dma_start3A_22 : memref<512x32xf32, #tpu.memory_space<hbm>>) target_semaphore(%run_scoped3A : memref<!tpu.dma_semaphore, #tpu.memory_space<semaphore_mem>>)
      %dma_wait3A_23 = arith.constant 0 : i32
      %dma_wait3A_24 = tpu.memref_slice %arg9[%mul3A_2, %dma_wait3A_23] : memref<16384x32xf32, #tpu.memory_space<hbm>> -> memref<512x32xf32, #tpu.memory_space<hbm>>
      %dma_wait3A_25 = arith.constant 0 : i32
      %dma_wait3A_26 = tpu.memref_slice %arg9[%mul3A_2, %dma_wait3A_25] : memref<16384x32xf32, #tpu.memory_space<hbm>> -> memref<512x32xf32, #tpu.memory_space<hbm>>
      tpu.wait_dma2 semaphore(%run_scoped3A : memref<!tpu.dma_semaphore, #tpu.memory_space<semaphore_mem>>) src(%arg15 : memref<512x32xf32, #tpu.memory_space<vmem>>) dst(%dma_wait3A_26 : memref<512x32xf32, #tpu.memory_space<hbm>>)
      tpu.yield
    }) : () -> ()
    "tpu.region"() ({
      %run_scoped3A = tpu.sem_alloc : memref<!tpu.dma_semaphore, #tpu.memory_space<semaphore_mem>>
      %dma_start3A_19 = arith.constant 0 : i32
      %dma_start3A_20 = tpu.memref_slice %arg10[%mul3A_2, %dma_start3A_19] : memref<16384x32xf32, #tpu.memory_space<hbm>> -> memref<512x32xf32, #tpu.memory_space<hbm>>
      %dma_start3A_21 = arith.constant 0 : i32
      %dma_start3A_22 = tpu.memref_slice %arg10[%mul3A_2, %dma_start3A_21] : memref<16384x32xf32, #tpu.memory_space<hbm>> -> memref<512x32xf32, #tpu.memory_space<hbm>>
      tpu.enqueue_dma source(%arg16 : memref<512x32xf32, #tpu.memory_space<vmem>>) target(%dma_start3A_22 : memref<512x32xf32, #tpu.memory_space<hbm>>) target_semaphore(%run_scoped3A : memref<!tpu.dma_semaphore, #tpu.memory_space<semaphore_mem>>)
      %dma_wait3A_23 = arith.constant 0 : i32
      %dma_wait3A_24 = tpu.memref_slice %arg10[%mul3A_2, %dma_wait3A_23] : memref<16384x32xf32, #tpu.memory_space<hbm>> -> memref<512x32xf32, #tpu.memory_space<hbm>>
      %dma_wait3A_25 = arith.constant 0 : i32
      %dma_wait3A_26 = tpu.memref_slice %arg10[%mul3A_2, %dma_wait3A_25] : memref<16384x32xf32, #tpu.memory_space<hbm>> -> memref<512x32xf32, #tpu.memory_space<hbm>>
      tpu.wait_dma2 semaphore(%run_scoped3A : memref<!tpu.dma_semaphore, #tpu.memory_space<semaphore_mem>>) src(%arg16 : memref<512x32xf32, #tpu.memory_space<vmem>>) dst(%dma_wait3A_26 : memref<512x32xf32, #tpu.memory_space<hbm>>)
      tpu.yield
    }) : () -> ()
    return
  }
}

module attributes {stable_mosaic.version = 14 : i64} {
  func.func @body(%arg0: i32, %arg1: memref<2048x32xf32, #tpu.memory_space<vmem>>, %arg2: memref<2048x32xf32, #tpu.memory_space<vmem>>, %arg3: memref<2048x32xf32, #tpu.memory_space<vmem>>, %arg4: memref<2048x26xf32, #tpu.memory_space<vmem>>, %arg5: memref<2048x26xf32, #tpu.memory_space<vmem>>, %arg6: memref<26x32xf32, #tpu.memory_space<vmem>>, %arg7: memref<26x32xf32, #tpu.memory_space<vmem>>, %arg8: memref<1x1x2048xf32, #tpu.memory_space<vmem>>) attributes {dimension_semantics = [#tpu.dimension_semantics<arbitrary>], iteration_bounds = array<i64: 8>, scalar_prefetch = 0 : i64, scratch_operands = 0 : i64, tpu.core_type = #tpu.core_type<tc>, window_params = [{transform_indices = @transform_0, window_bounds = array<i64: 2048, 32>}, {transform_indices = @transform_1, window_bounds = array<i64: 2048, 32>}, {transform_indices = @transform_2, window_bounds = array<i64: 2048, 32>}, {transform_indices = @transform_3, window_bounds = array<i64: 2048, 26>}, {transform_indices = @transform_4, window_bounds = array<i64: 2048, 26>}, {pipeline_mode = #tpu.pipeline_mode<synchronous>, transform_indices = @transform_5, window_bounds = array<i64: 26, 32>}, {pipeline_mode = #tpu.pipeline_mode<synchronous>, transform_indices = @transform_6, window_bounds = array<i64: 26, 32>}, {transform_indices = @transform_7, window_bounds = array<i64: 1, 1, 2048>}]} {
    %get3A = arith.constant 0 : index
    %get3A_0 = arith.constant 0 : index
    %get3A_1 = vector.load %arg4[%get3A, %get3A_0] : memref<2048x26xf32, #tpu.memory_space<vmem>>, vector<2048x26xf32>
    %get3A_2 = arith.constant 0 : index
    %get3A_3 = arith.constant 0 : index
    %get3A_4 = vector.load %arg6[%get3A_2, %get3A_3] : memref<26x32xf32, #tpu.memory_space<vmem>>, vector<26x32xf32>
    %dot_general3A = arith.constant dense<0.000000e+00> : vector<2048x32xf32>
    %dot_general3A_5 = tpu.matmul %get3A_1, %get3A_4, %dot_general3A {dimension_numbers = #tpu.dot_dimension_numbers<[1], [0], [0], [1], [0, 0, 1, 1], [], []>, transpose_lhs_hint = false} : vector<2048x26xf32>, vector<26x32xf32>, vector<2048x32xf32> -> vector<2048x32xf32>
    %get3A_6 = arith.constant 0 : index
    %get3A_7 = arith.constant 0 : index
    %get3A_8 = vector.load %arg5[%get3A_6, %get3A_7] : memref<2048x26xf32, #tpu.memory_space<vmem>>, vector<2048x26xf32>
    %get3A_9 = arith.constant 0 : index
    %get3A_10 = arith.constant 0 : index
    %get3A_11 = vector.load %arg7[%get3A_9, %get3A_10] : memref<26x32xf32, #tpu.memory_space<vmem>>, vector<26x32xf32>
    %dot_general3A_12 = arith.constant dense<0.000000e+00> : vector<2048x32xf32>
    %dot_general3A_13 = tpu.matmul %get3A_8, %get3A_11, %dot_general3A_12 {dimension_numbers = #tpu.dot_dimension_numbers<[1], [0], [0], [1], [0, 0, 1, 1], [], []>, transpose_lhs_hint = false} : vector<2048x26xf32>, vector<26x32xf32>, vector<2048x32xf32> -> vector<2048x32xf32>
    %get3A_14 = arith.constant 0 : index
    %get3A_15 = arith.constant 0 : index
    %get3A_16 = vector.load %arg1[%get3A_14, %get3A_15] : memref<2048x32xf32, #tpu.memory_space<vmem>>, vector<2048x32xf32>
    %add3A = arith.addf %get3A_16, %dot_general3A_5 : vector<2048x32xf32>
    %get3A_17 = arith.constant 0 : index
    %get3A_18 = arith.constant 0 : index
    %get3A_19 = vector.load %arg2[%get3A_17, %get3A_18] : memref<2048x32xf32, #tpu.memory_space<vmem>>, vector<2048x32xf32>
    %mul3A = arith.mulf %add3A, %get3A_19 : vector<2048x32xf32>
    %get3A_20 = arith.constant 0 : index
    %get3A_21 = arith.constant 0 : index
    %get3A_22 = vector.load %arg3[%get3A_20, %get3A_21] : memref<2048x32xf32, #tpu.memory_space<vmem>>, vector<2048x32xf32>
    %add3A_23 = arith.addf %get3A_22, %dot_general3A_13 : vector<2048x32xf32>
    %mul3A_24 = arith.mulf %mul3A, %add3A_23 : vector<2048x32xf32>
    %reduce_sum3A = arith.constant dense<0.000000e+00> : vector<2048xf32>
    %reduce_sum3A_25 = vector.multi_reduction <add>, %mul3A_24, %reduce_sum3A [1] : vector<2048x32xf32> to vector<2048xf32>
    %reshape3A = vector.shape_cast %reduce_sum3A_25 : vector<2048xf32> to vector<1x1x2048xf32>
    %swap3A = arith.constant 0 : index
    %swap3A_26 = arith.constant 0 : index
    %swap3A_27 = arith.constant 0 : index
    %swap3A_28 = vector.load %arg8[%swap3A, %swap3A_26, %swap3A_27] : memref<1x1x2048xf32, #tpu.memory_space<vmem>>, vector<1x1x2048xf32>
    tpu.vector_store %arg8[%swap3A, %swap3A_26, %swap3A_27], %reshape3A {strides = array<i32>} : memref<1x1x2048xf32, #tpu.memory_space<vmem>>, vector<1x1x2048xf32>,
    return
  }
  func.func @transform_0(%arg0: i32) -> (i32, i32) {
    %c0_i32 = arith.constant 0 : i32
    %c0_i32_0 = arith.constant 0 : i32
    return %arg0, %c0_i32 : i32, i32
  }
  func.func @transform_1(%arg0: i32) -> (i32, i32) {
    %c0_i32 = arith.constant 0 : i32
    %c0_i32_0 = arith.constant 0 : i32
    return %arg0, %c0_i32 : i32, i32
  }
  func.func @transform_2(%arg0: i32) -> (i32, i32) {
    %c0_i32 = arith.constant 0 : i32
    %c0_i32_0 = arith.constant 0 : i32
    return %arg0, %c0_i32 : i32, i32
  }
  func.func @transform_3(%arg0: i32) -> (i32, i32) {
    %c0_i32 = arith.constant 0 : i32
    %c0_i32_0 = arith.constant 0 : i32
    return %arg0, %c0_i32 : i32, i32
  }
  func.func @transform_4(%arg0: i32) -> (i32, i32) {
    %c0_i32 = arith.constant 0 : i32
    %c0_i32_0 = arith.constant 0 : i32
    return %arg0, %c0_i32 : i32, i32
  }
  func.func @transform_5(%arg0: i32) -> (i32, i32) {
    %c0_i32 = arith.constant 0 : i32
    %c0_i32_0 = arith.constant 0 : i32
    %c0_i32_1 = arith.constant 0 : i32
    return %c0_i32, %c0_i32_0 : i32, i32
  }
  func.func @transform_6(%arg0: i32) -> (i32, i32) {
    %c0_i32 = arith.constant 0 : i32
    %c0_i32_0 = arith.constant 0 : i32
    %c0_i32_1 = arith.constant 0 : i32
    return %c0_i32, %c0_i32_0 : i32, i32
  }
  func.func @transform_7(%arg0: i32) -> (i32, i32, i32) {
    %c0_i32 = arith.constant 0 : i32
    %c0_i32_0 = arith.constant 0 : i32
    %c0_i32_1 = arith.constant 0 : i32
    return %arg0, %c0_i32, %c0_i32_0 : i32, i32, i32
  }
}

</mosaic_0001>

<sc_bundles>
// kernel: kernel.4.cloned.1.call-start
scs
__scs_entry_jumppad:
0x0: {  	(pc) =	sbr.rel $0x88, $3  }
0x1: {  	(tag) =	ssettag $0x0;
	lr =	simm.s32 $0x1  }
0x2: {  	[smem:$0x3F97] =	sst lr;
	_ =	strace $0xD0000000  }
0x3: {  	_ = 	snop  }
0x4: {  	_ = 	snop  }
0x5: {  	_ = 	snop  }
0x6: {  	_ = 	snop  }
0x7: {  	_ = 	snop  }
__scs_overlays_trampoline_lowered:
0x8: {  	[smem:$0x3FA6] =	sst s0  }
0x9: {  	[smem:$0x3FA7] =	sst s1  }
0xa: {  	[smem:$0x3FA8] =	sst s2  }
0xb: {  	[smem:$0x3FA9] =	sst s3  }
0xc: {  	[smem:$0x3FAA] =	sst s4  }
0xd: {  	[smem:$0x3FAB] =	sst s5  }
0xe: {  	[smem:$0x3FAC] =	sst s6  }
0xf: {  	[smem:$0x3FAD] =	sst s7  }
0x10: {  	[smem:$0x3FAE] =	sst s8  }
0x11: {  	[smem:$0x3FAF] =	sst s9;
	s0 =	simm.s32 @!p0 $0x0  }
0x12: {  	s1 =	sld [smem:$0x3F95];
	s0 =	simm.s32 @p0 $0x1  }
0x13: {  	[smem:$0x3FB0] =	sst s0;
	s0 =	simm.s32 @!p1 $0x0  }
0x14: {  	s2 =	sld [smem:$0x3F94];
	s0 =	simm.s32 @p1 $0x1  }
0x15: {  	[smem:$0x3FB1] =	sst s0;
	s0 =	simm.s32 @!p2 $0x0  }
0x16: {  	s3 =	sld [smem:$0x3FDB];
	s0 =	simm.s32 @p2 $0x1  }
0x17: {  	s4 =	simm.s32 $0x1BF5;
	[smem:$0x3FB3] =	sst s0  }
0x18: {  	s0 =	sld [smem:$0x3F96];
	_ =	swait.ge [sflag:s4], $0x0  }
0x19: {  	s7 =	sld [smem:$0x3F97]  }
0x1a: {  	s8 =	sadd.s32 $0xFFFFE003, lr  }
0x1b: {  	s9 =	sadd.s32 $0xFFFFFEF7, lr;
	s5 =	simm.s32 $0xFFFFFFFF;
	p2 =	slt.u32 s8, $0xFFFFF086  }
0x1c: {  	p1 =	slt.u32 s9, $0xF7A;
	s5 =	simm.s32 @!p2 $0x0  }
0x1d: {  	s5 =	simm.s32 @p1 $0x1;
	p0 =	seq.s32 s7, s2  }
0x1e: {  	s7 =	smul.u32 @!p0 $0xF7A, s2;
	p2 =	seq.s32 @!p0 s5, $0x0  }
0x1f: {  	s9 =	smul.u32 $0xF7A, s1;
	s8 =	simm.s32 @!p0 $0x1BF5;
	p2 =	por !p2, p0  }
0x20: {  	[sflag:s8] =	ssyncset.s32 @!p0 $0xFFFFF086;
	s6 =	sadd.s32 @!p0 s3, s7;
	s7 =	simm.s32 @!p0 $0x108  }
0x21: {  	s3 =	sadd.s32 s3, s9;
	s6 =	sadd.s32 @!p0 $0x88, s6;
	s7 =	simm.s32 @p2 $0x1082  }
0x22: {  	[simem:s7], [sflag:s8] =	dma.local @!p0 [hbm:s6], $0xF7A  }
0x23: {  	s9 =	sor.u32 $0xD0000000, s2;
	s6 =	simm.s32 $0x108;
	_ =	swait.ge @!p0 [sflag:s8], $0x0  }
0x24: {  	s3 =	sadd.s32 $0x88, s3;
	s6 =	simm.s32 @!p1 $0x1082;
	[sflag:s4] =	ssyncset.s32 $0xFFFFF086  }
0x25: {  	[simem:s6], [sflag:s4] =	dma.local [hbm:s3], $0xF7A  }
0x26: {  	[smem:$0x3F97] =	sst s1;
	(tag) =	ssettag s2;
	_ =	strace s9  }
0x27: {  	s1 =	sld [smem:$0x3FA7]  }
0x28: {  	s2 =	sld [smem:$0x3FA8]  }
0x29: {  	s4 =	sld [smem:$0x3FAA]  }
0x2a: {  	p0 =	seq.s32 s5, $0x0;
	s5 =	sld [smem:$0x3FAB]  }
0x2b: {  	s6 =	sld [smem:$0x3FAC]  }
0x2c: {  	s7 =	sld [smem:$0x3FAD]  }
0x2d: {  	s3 =	simm.s32 $0x108;
	s8 =	sld [smem:$0x3FAE]  }
0x2e: {  	s3 =	simm.s32 @!p0 $0x1082;
	s9 =	sld [smem:$0x3FAF]  }
0x2f: {  	lr =	sadd.s32 s0, s3;
	s0 =	sld [smem:$0x3FA6]  }
0x30: {  	s3 =	sld [smem:$0x3FA9]  }
0x31: {  	[smem:$0x3FB2] =	sst s10  }
0x32: {  	s10 =	sld [smem:$0x3FB0];
	_ =	sdelay $0x3  }
0x33: {  	p0 =	seq.s32 s10, $0x1;
	s10 =	sld [smem:$0x3FB2];
	_ =	sdelay $0x3  }
0x34: {  	[smem:$0x3FB2] =	sst s10  }
0x35: {  	s10 =	sld [smem:$0x3FB1];
	_ =	sdelay $0x3  }
0x36: {  	p1 =	seq.s32 s10, $0x1;
	s10 =	sld [smem:$0x3FB2];
	_ =	sdelay $0x3  }
0x37: {  	[smem:$0x3FB2] =	sst s10  }
0x38: {  	s10 =	sld [smem:$0x3FB3]  }
0x39: {  	_ = 	snop;
	(pc) =	sbr.ind lr, $3  }
0x3a: {  	_ = 	snop  }
0x3b: {  	_ = 	snop  }
0x3c: {  	p2 =	seq.s32 s10, $0x1;
	s10 =	sld [smem:$0x3FB2]  }
0x3d: {  	_ =	shalt  }
0x3e: {  	_ =	shalt  }
0x3f: {  	_ =	shalt  }
0x40: {  	_ =	shalt  }
0x41: {  	_ =	shalt  }
0x42: {  	_ =	shalt  }
0x43: {  	_ =	shalt  }
0x44: {  	_ =	shalt  }
0x45: {  	_ =	shalt  }
0x46: {  	_ =	shalt  }
0x47: {  	_ =	shalt  }
0x48: {  	_ =	shalt  }
0x49: {  	_ =	shalt  }
0x4a: {  	_ =	shalt  }
0x4b: {  	_ =	shalt  }
0x4c: {  	_ =	shalt  }
0x4d: {  	_ =	shalt  }
0x4e: {  	_ =	shalt  }
0x4f: {  	_ =	shalt  }
0x50: {  	_ =	shalt  }
0x51: {  	_ =	shalt  }
0x52: {  	_ =	shalt  }
0x53: {  	_ =	shalt  }
0x54: {  	_ =	shalt  }
0x55: {  	_ =	shalt  }
0x56: {  	_ =	shalt  }
0x57: {  	_ =	shalt  }
0x58: {  	_ =	shalt  }
0x59: {  	_ =	shalt  }
0x5a: {  	_ =	shalt  }
0x5b: {  	_ =	shalt  }
0x5c: {  	_ =	shalt  }
0x5d: {  	_ =	shalt  }
0x5e: {  	_ =	shalt  }
0x5f: {  	_ =	shalt  }
0x60: {  	_ =	shalt  }
0x61: {  	_ =	shalt  }
0x62: {  	_ =	shalt  }
0x63: {  	_ =	shalt  }
0x64: {  	_ =	shalt  }
0x65: {  	_ =	shalt  }
0x66: {  	_ =	shalt  }
0x67: {  	_ =	shalt  }
0x68: {  	_ =	shalt  }
0x69: {  	_ =	shalt  }
0x6a: {  	_ =	shalt  }
0x6b: {  	_ =	shalt  }
0x6c: {  	_ =	shalt  }
0x6d: {  	_ =	shalt  }
0x6e: {  	_ =	shalt  }
0x6f: {  	_ =	shalt  }
0x70: {  	_ =	shalt  }
0x71: {  	_ =	shalt  }
0x72: {  	_ =	shalt  }
0x73: {  	_ =	shalt  }
0x74: {  	_ =	shalt  }
0x75: {  	_ =	shalt  }
0x76: {  	_ =	shalt  }
0x77: {  	_ =	shalt  }
0x78: {  	_ =	shalt  }
0x79: {  	_ =	shalt  }
0x7a: {  	_ =	shalt  }
0x7b: {  	_ =	shalt  }
0x7c: {  	_ =	shalt  }
0x7d: {  	_ =	shalt  }
0x7e: {  	_ =	shalt  }
0x7f: {  	_ =	shalt  }
0x80: {  	_ =	shalt  }
0x81: {  	_ =	shalt  }
0x82: {  	_ =	shalt  }
0x83: {  	_ =	shalt  }
0x84: {  	_ =	shalt  }
0x85: {  	_ =	shalt  }
0x86: {  	_ =	shalt  }
0x87: {  	_ =	shalt  }
.Lfunc_end0:
.L_simem_size_0:
called_computation_lowered:
.L_overlay_start_0:
0x88: {  	s2 =	sld [smem:$0x3FD9]  }
0x89: {  	s3 =	sld [smem:$0x3FFE];
	_ =	sdelay $0x1  }
0x8a: {  	s1 =	srdreg.scid  }
0x8b: {  	s0 =	sand.u32 $0x1, s1  }
0x8c: {  	s17 =	sshll.u32 s0, $0xA;
	s2 =	sadd.s32 s3, s2  }
0x8d: {  	s2 =	sadd.s32 s2, s17  }
0x8e: {  	[smem:$0x3FBE] =	sst s2  }
0x8f: {  	_ = 	snop  }
0x90: {  	s2 =	sld [smem:$0x3FC9]  }
0x91: {  	s18 =	sld [smem:$0x3FC8]  }
0x92: {  	s4 =	sld [smem:$0x3FC7]  }
0x93: {  	s5 =	sld [smem:$0x3FD0];
	(tm) =	ssettm $0x1  }
0x94: {  	s6 =	sld [smem:$0x3FFB];
	_ =	sdelay $0x3  }
0x95: {  	_ =	strace s6  }
0x96: {  	s6 =	sld [smem:$0x3FFC];
	_ =	sdelay $0x3  }
0x97: {  	_ =	strace s6  }
0x98: {  	s6 =	sld [smem:$0x3FFD];
	_ =	sdelay $0x3  }
0x99: {  	_ =	strace s6  }
0x9a: {  	_ =	strace $0x8FFFFFFF  }
0x9b: {  	s19 =	sld [smem:$0x3FDB];
	_ =	sdelay $0x1  }
0x9c: {  	s7 =	simm.s32 $_scs_section_size  }
0x9d: {  	s8 =	simm.s32 $_size__tile_overlayer_lowered;
	s9 =	simm.s32 $_tile_overlayer_lowered  }
0x9e: {  	s22 =	simm.s32 $0x1BFF;
	s21 =	sshll.u32 s9, $0x1;
	s6 =	sadd.s32 s7, s19  }
0x9f: {  	s10 =	simm.s32 $0x0;
	s20 =	sshll.u32 s8, $0x1;
	s8 =	sadd.s32 s21, s6  }
0xa0: {  	[timem:s10], [sflag:s22] =	dma.local [hbm:s8], s20  }
0xa1: {  	_ =	swait.ge [sflag:s22], s20  }
0xa2: {  	s7 =	ssub.s32 $0x0, s20;
	[sflag:s22] =	ssyncset.done $0x0  }
0xa3: {  	[sflag:s22] =	ssyncadd.s32 s7;
	_ =	sdelay $0x1  }
0xa4: {  	s23 =	simm.s32 $0x1B8B  }
0xa5: {  	_ =	swait.ge [sflag:s23], $0x1  }
0xa6: {  	[sflag:s23] =	ssyncset.done $0x0  }
0xa7: {  	s25 =	simm.s32 $0x1B8E;
	s24 =	sld [smem:$0x3FFE];
	[sflag:s23] =	ssyncadd.s32 $0xFFFFFFFF  }
0xa8: {  	s26 =	simm.s32 $execute0_lowered;
	[smem:$0x3FD2] =	sst s25  }
0xa9: {  	s8 =	sshll.u32 s26, $0x1;
	_ =	strace $0x80000046;
	[dreg:$0x1] =	wrdreg $0xFFFFFFFF  }
0xaa: {  	s28 =	simm.s32 $_size_execute0_lowered;
	s6 =	sadd.s32 s6, s8;
	[dreg:$0x0] =	wrdreg $0x0  }
0xab: {  	s8 =	sshll.u32 s28, $0x1;
	[dreg:$0x2] =	wrdreg s6  }
0xac: {  	[dreg:$0x3] =	wrdreg s8  }
0xad: {  	[dreg:$0x4] =	wrdreg $0xC0  }
0xae: {  	_ =	task [dreg:s10], $0x5FFFF  }
0xaf: {  	[dreg:$0x1] =	wrdreg $0xFFFFFFFF  }
0xb0: {  	[dreg:$0x0] =	wrdreg $0x60  }
0xb1: {  	[dreg:$0x2] =	wrdreg s2  }
0xb2: {  	[dreg:$0x3] =	wrdreg s18  }
0xb3: {  	[dreg:$0x4] =	wrdreg s4  }
0xb4: {  	[dreg:$0x5] =	wrdreg s24  }
0xb5: {  	[dreg:$0x6] =	wrdreg s5  }
0xb6: {  	[dreg:$0x7] =	wrdreg $0x9  }
0xb7: {  	_ =	task.clear_ibuf [dreg:s10], $0x8FFFF;
	_ =	strace $0x90000046  }
0xb8: {  	s29 =	simm.s32 $0x9;
	_ =	strace $0x80000048  }
0xb9: {  	_ =	swait.ge [sflag:s29], $0x1  }
0xba: {  	[sflag:s29] =	ssyncadd.s32 $0xFFFFFFFF  }
0xbb: {  	_ =	strace $0x90000048  }
0xbc: {  	_ =	sfence  }
0xbd: {  	s30 =	sld [smem:$0x0];
	_ =	sdelay $0x2  }
0xbe: {  	s31 =	sshll.u32 s1, $0xD;
	s1 =	sshrl.u32 s1, $0x2  }
0xbf: {  	s3 =	sand.u32 $0x4000, s31;
	s1 =	sadd.s32 s1, s30  }
0xc0: {  	s0 =	sor.u32 s3, s0;
	s1 =	sshll.u32 s1, $0x11  }
0xc1: {  	s0 =	sor.u32 s1, s0  }
0xc2: {  	s0 =	sadd.s32 $0x8F2B, s0  }
0xc3: {  	[sflag:s0] =	ssyncadd.remote.s32 $0x1  }
0xc4: {  	_ =	sfence.sel $0xFFFF  }
0xc5: {  	[dreg:$0x0] =	wrdreg $0xFFFFFFFF;
	(pc) =	sbr.abs _section_cstart, $3  }
0xc6: {  	[dreg:$0x1] =	wrdreg $0xFFFFFFFF  }
0xc7: {  	_ =	task.clear_ibuf [dreg:s10], $0x2FFFF;
	_ =	strace $0x9FFFFFFF  }
0xc8: {  	(tm) =	ssettm $0x7FFFFFFF  }
0xc9: {  	_ =	shalt  }
tec
execute0_lowered:
.L_overlay_start_1:
0x0: {  	(tag) =	ssettag $0x1  }
0x1: {  	s4 =	rddreg [dreg:$0x0]  }
0x2: {  	s6 =	rddreg [dreg:$0x1]  }
0x3: {  	s8 =	rddreg [dreg:$0x2];
	s1 =	srdreg.scid  }
0x4: {  	s18 =	rddreg [dreg:$0x3];
	s0 =	stileid.u32;
	s19 =	sand.u32 $0x1, s1  }
0x5: {  	s2 =	rddreg [dreg:$0x4];
	s5 =	sshll.u32 s0, $0xA;
	s7 =	sshll.u32 s19, $0x9  }
0x6: {  	s3 =	simm.s32 $0x0;
	s1 =	rddreg [dreg:$0x5];
	s20 =	sor.u32 s7, s5  }
0x7: {  	[smem:$0x7FF] =	sst s3;
	s9 =	sshrl.u32 s20, $0x3  }
0x8: {  	_ =	strace $0x80000047;
	s5 =	sadd.s32 s4, s9;
	s4 =	simm.s32 $0x4  }
0x9: {  	[tilespmem:s3], [sflag:$0x4] =	stream.linear.gather [hbm4b:s5+s3], $0x200, $0x38;
	[tilespmem:$0xC600] =	vst v63  }
0xa: {  	_ =	swait.ge [sflag:s4], $0x200  }
0xb: {  	[sflag:s4] =	ssyncset.done $0x0  }
0xc: {  	s7 =	simm.s32 $0x200;
	s6 =	sadd.s32 s6, s9;
	[sflag:s4] =	ssyncadd.s32 $0xFFFFFE00  }
0xd: {  	[tilespmem:s7], [sflag:$0x4] =	stream.linear.gather [hbm4b:s6+s3], $0x200, $0x38;
	[tilespmem:$0xC600] =	vst v63  }
0xe: {  	_ =	swait.ge [sflag:s4], $0x200  }
0xf: {  	[sflag:s4] =	ssyncset.done $0x0  }
0x10: {  	s8 =	sadd.s32 s8, s9;
	s9 =	simm.s32 $0x400;
	[sflag:s4] =	ssyncadd.s32 $0xFFFFFE00  }
0x11: {  	[tilespmem:s9], [sflag:$0x4] =	stream.linear.gather [hbm4b:s8+s3], $0x200, $0x38;
	[tilespmem:$0xC600] =	vst v63  }
0x12: {  	_ =	swait.ge [sflag:s4], $0x200  }
0x13: {  	[sflag:s4] =	ssyncset.done $0x0  }
0x14: {  	s11 =	simm.s32 $0x600;
	s10 =	sadd.s32 $0xF43C00, s18;
	[sflag:s4] =	ssyncadd.s32 $0xFFFFFE00  }
0x15: {  	[tilespmem:s11], [sflag:$0x1] =	stream.indirect.gather [hbm4b:s10+s7], $0x20, s3, s7, $0xb8;
	[tilespmem:$0xC600] =	vst v63  }
0x16: {  	s13 =	simm.s32 $0x4600;
	s12 =	sadd.s32 $0x1800, s18  }
0x17: {  	[tilespmem:s13], [sflag:$0x2] =	stream.indirect.gather [hbm4b:s12+s7], $0x20, s7, s7, $0xb8;
	[tilespmem:$0xC600] =	vst v63  }
0x18: {  	s14 =	simm.s32 $0x8600;
	s15 =	simm.s32 $0x1  }
0x19: {  	[tilespmem:s14], [sflag:$0x3] =	stream.indirect.gather [hbm4b:s2+s7], $0x20, s9, s7, $0xb8;
	[tilespmem:$0xC600] =	vst v63  }
0x1a: {  	_ =	swait.ge [sflag:s15], $0x4000  }
0x1b: {  	[sflag:s15] =	ssyncset.done $0x0  }
0x1c: {  	s16 =	simm.s32 $0x2;
	[sflag:s15] =	ssyncadd.s32 $0xFFFFC000  }
0x1d: {  	_ =	swait.ge [sflag:s16], $0x4000  }
0x1e: {  	[sflag:s16] =	ssyncset.done $0x0  }
0x1f: {  	s17 =	simm.s32 $0x3;
	[sflag:s16] =	ssyncadd.s32 $0xFFFFC000  }
0x20: {  	s20 =	sshll.u32 s20, $0x2;
	_ =	swait.ge [sflag:s17], $0x4000  }
0x21: {  	s20 =	sadd.s32 s20, s18;
	[sflag:s17] =	ssyncset.done $0x0  }
0x22: {  	s21 =	ssub.s32 $0x2, s19;
	s18 =	sadd.s32 $0x22800, s20;
	[sflag:s17] =	ssyncadd.s32 $0xFFFFC000  }
0x23: {  	[hbm4b:s18+s3] =	stream.linear.scatter [tilespmem:s11], [sflag:$0x4], $0x4000, $0x38;
	[tilespmem:$0xC600] =	vst v63  }
0x24: {  	s22 =	sshrl.u32 s21, $0x1;
	_ =	swait.ge [sflag:s4], $0x4000  }
0x25: {  	s21 =	ssub.s32 s21, s22;
	[sflag:s4] =	ssyncset.done $0x0  }
0x26: {  	s21 =	smax.u32 s21, $0x1;
	s19 =	sadd.s32 $0x12800, s20;
	[sflag:s4] =	ssyncadd.s32 $0xFFFFC000  }
0x27: {  	[hbm4b:s19+s3] =	stream.linear.scatter [tilespmem:s13], [sflag:$0x4], $0x4000, $0x38;
	[tilespmem:$0xC600] =	vst v63  }
0x28: {  	p0 =	sne.s32 s21, $0x1;
	_ =	swait.ge [sflag:s4], $0x4000  }
.Ltmp0:
0x29: {  	[sflag:s4] =	ssyncset.done $0x0;
	(pc) =	sbr.rel @!p0 .LBB2_2-.Ltmp0, $4  }
0x2a: {  	s20 =	sadd.s32 $0x2800, s20;
	[sflag:s4] =	ssyncadd.s32 $0xFFFFC000  }
0x2b: {  	[hbm4b:s20+s3] =	stream.linear.scatter [tilespmem:s14], [sflag:$0x4], $0x4000, $0x38;
	[tilespmem:$0xC600] =	vst v63  }
0x2c: {  	_ =	swait.ge [sflag:s4], $0x4000  }
0x2d: {  	s21 =	sadd.s32 $0xFFFFFFFF, s21;
	[sflag:s4] =	ssyncset.done $0x0  }
.LBB2_1:
0x2e: {  	p0 =	sne.s32 s21, $0x1;
	s21 =	sadd.s32 $0xFFFFFFFF, s21;
	[sflag:s4] =	ssyncadd.s32 $0xFFFFC000  }
0x2f: {  	[tilespmem:s3], [sflag:$0x4] =	stream.linear.gather [hbm4b:s5+s3], $0x200, $0x38;
	[tilespmem:$0xC600] =	vst v63  }
0x30: {  	_ =	swait.ge [sflag:s4], $0x200  }
0x31: {  	[sflag:s4] =	ssyncset.done $0x0  }
0x32: {  	[sflag:s4] =	ssyncadd.s32 $0xFFFFFE00  }
0x33: {  	[tilespmem:s7], [sflag:$0x4] =	stream.linear.gather [hbm4b:s6+s3], $0x200, $0x38;
	[tilespmem:$0xC600] =	vst v63  }
0x34: {  	_ =	swait.ge [sflag:s4], $0x200  }
0x35: {  	[sflag:s4] =	ssyncset.done $0x0  }
0x36: {  	[sflag:s4] =	ssyncadd.s32 $0xFFFFFE00  }
0x37: {  	[tilespmem:s9], [sflag:$0x4] =	stream.linear.gather [hbm4b:s8+s3], $0x200, $0x38;
	[tilespmem:$0xC600] =	vst v63  }
0x38: {  	_ =	swait.ge [sflag:s4], $0x200  }
0x39: {  	[sflag:s4] =	ssyncset.done $0x0  }
0x3a: {  	[sflag:s4] =	ssyncadd.s32 $0xFFFFFE00  }
0x3b: {  	[tilespmem:s11], [sflag:$0x1] =	stream.indirect.gather [hbm4b:s10+s7], $0x20, s3, s7, $0xb8;
	[tilespmem:$0xC600] =	vst v63  }
0x3c: {  	_ = 	snop  }
0x3d: {  	[tilespmem:s13], [sflag:$0x2] =	stream.indirect.gather [hbm4b:s12+s7], $0x20, s7, s7, $0xb8;
	[tilespmem:$0xC600] =	vst v63  }
0x3e: {  	_ = 	snop  }
0x3f: {  	[tilespmem:s14], [sflag:$0x3] =	stream.indirect.gather [hbm4b:s2+s7], $0x20, s9, s7, $0xb8;
	[tilespmem:$0xC600] =	vst v63  }
0x40: {  	_ =	swait.ge [sflag:s15], $0x4000  }
0x41: {  	[sflag:s15] =	ssyncset.done $0x0  }
0x42: {  	[sflag:s15] =	ssyncadd.s32 $0xFFFFC000  }
0x43: {  	_ =	swait.ge [sflag:s16], $0x4000  }
0x44: {  	[sflag:s16] =	ssyncset.done $0x0  }
0x45: {  	[sflag:s16] =	ssyncadd.s32 $0xFFFFC000  }
0x46: {  	_ =	swait.ge [sflag:s17], $0x4000  }
0x47: {  	[sflag:s17] =	ssyncset.done $0x0  }
0x48: {  	[sflag:s17] =	ssyncadd.s32 $0xFFFFC000  }
0x49: {  	[hbm4b:s18+s3] =	stream.linear.scatter [tilespmem:s11], [sflag:$0x4], $0x4000, $0x38;
	[tilespmem:$0xC600] =	vst v63  }
0x4a: {  	_ =	swait.ge [sflag:s4], $0x4000  }
0x4b: {  	[sflag:s4] =	ssyncset.done $0x0  }
0x4c: {  	[sflag:s4] =	ssyncadd.s32 $0xFFFFC000  }
0x4d: {  	[hbm4b:s19+s3] =	stream.linear.scatter [tilespmem:s13], [sflag:$0x4], $0x4000, $0x38;
	[tilespmem:$0xC600] =	vst v63  }
0x4e: {  	_ =	swait.ge [sflag:s4], $0x4000  }
.Ltmp1:
0x4f: {  	[sflag:s4] =	ssyncset.done $0x0;
	(pc) =	sbr.rel @p0 .LBB2_1-.Ltmp1, $4  }
0x50: {  	[sflag:s4] =	ssyncadd.s32 $0xFFFFC000  }
0x51: {  	[hbm4b:s20+s3] =	stream.linear.scatter [tilespmem:s14], [sflag:$0x4], $0x4000, $0x38;
	[tilespmem:$0xC600] =	vst v63  }
0x52: {  	_ =	swait.ge [sflag:s4], $0x4000  }
0x53: {  	[sflag:s4] =	ssyncset.done $0x0  }
.LBB2_2:
0x54: {  	[sflag:s4] =	ssyncadd.s32 $0xFFFFC000  }
0x55: {  	_ =	sfence.sel $0x180000  }
0x56: {  	[bflag:$0x0] =	sbarrier.arrive $0xFFFF  }
0x57: {  	p0 =	sne.s32 s0, $0x0;
	_ =	strace $0x90000047  }
0x58: {  	s0 =	sadd.s32 @!p0 $0x100000, s1;
	[bflag:$0x2] =	sbarrier.arrive $0xFFFF  }
0x59: {  	[sflag:s0] =	ssyncadd.tile.s32 @!p0 $0x1;
	_ =	shalt  }
.Lfunc_end2:
_tile_overlayer_lowered:
.L_overlay_start_2:
0x5a: {  	(tag) =	ssettag $0x2  }
0x5b: {  	s0 =	rddreg [dreg:$0x0];
	s2 =	stileid.u32  }
0x5c: {  	s1 =	rddreg [dreg:$0x1];
	p0 =	sne.s32 s2, $0x0  }
0x5d: {  	s3 =	rddreg [dreg:$0x2];
	[bflag:$0x3] =	sbarrier.arrive $0xFFFF;
	s2 =	simm.s32 @!p0 $0x1C04  }
0x5e: {  	[timem:s3], [sflag:s2] =	dma.local @!p0 [hbm:s0], s1  }
0x5f: {  	s0 =	simm.s32 @!p0 $0x4  }
0x60: {  	_ =	swait.ge @!p0 [sflag:s0], s1  }
0x61: {  	s1 =	ssub.s32 @!p0 $0x0, s1;
	[sflag:s0] =	ssyncset.done @!p0 $0x0  }
0x62: {  	[sflag:s0] =	ssyncadd.s32 @!p0 s1  }
0x63: {  	[bflag:$0x3] =	sbarrier.arrive $0xFFFF  }
0x64: {  	_ =	shalt  }

</sc_bundles>
